<compile_context>
chip_gen: v7x
topology: tpu7x:2x2x1
jax: 0.10.2.dev20260603
libtpu: 0.0.44.dev20260713+nightly
codegen_flags: <defaults>
</compile_context>

<pallas_src>
import functools

import jax
import jax.numpy as jnp
from jax import lax
from jax.experimental import pallas as pl
from jax.experimental.pallas import tpu as pltpu
from jax.experimental.pallas import tpu_sc as plsc

_ROWS = 16384
_N = 2048
_NW = 32
_RPW = _ROWS // _NW
_CHUNK = 16
_STEPS = _RPW // _CHUNK


def _sc_copy(x_hbm, out_hbm, buf0, buf1, isem0, isem1, osem0, osem1):
    c = lax.axis_index("c")
    s = lax.axis_index("s")
    wid = s * 2 + c
    base = wid * _RPW

    bufs = (buf0, buf1)
    isems = (isem0, isem1)
    osems = (osem0, osem1)

    pltpu.async_copy(x_hbm.at[pl.ds(base, _CHUNK)], buf0, isem0)

    def body(i, _):
        slot = lax.rem(i, 2)
        off = base + i * _CHUNK

        def do(k):
            buf, isem, osem = bufs[k], isems[k], osems[k]
            pltpu.make_async_copy(x_hbm.at[pl.ds(off, _CHUNK)], buf, isem).wait()
            @pl.when(i >= 2)
            def _():
                pltpu.make_async_copy(
                    buf, out_hbm.at[pl.ds(off - 2 * _CHUNK, _CHUNK)], osem
                ).wait()
            @pl.when(i + 1 < _STEPS)
            def _():
                nk = 1 - k
                pltpu.async_copy(
                    x_hbm.at[pl.ds(off + _CHUNK, _CHUNK)], bufs[nk], isems[nk]
                )
            pltpu.async_copy(buf, out_hbm.at[pl.ds(off, _CHUNK)], osem)

        @pl.when(slot == 0)
        def _():
            do(0)

        @pl.when(slot == 1)
        def _():
            do(1)

        return 0

    lax.fori_loop(0, _STEPS, body, 0)

    last0 = base + (_STEPS - 2) * _CHUNK
    pltpu.make_async_copy(
        bufs[_STEPS % 2], out_hbm.at[pl.ds(last0, _CHUNK)], osems[_STEPS % 2]
    ).wait()
    last1 = base + (_STEPS - 1) * _CHUNK
    pltpu.make_async_copy(
        bufs[(_STEPS - 1) % 2], out_hbm.at[pl.ds(last1, _CHUNK)], osems[(_STEPS - 1) % 2]
    ).wait()


def kernel(x, s):
    del s
    b, m, n = x.shape
    xf = x.reshape(_ROWS, _N)
    mesh = plsc.VectorSubcoreMesh(core_axis_name="c", subcore_axis_name="s")
    k = functools.partial(
        pl.kernel,
        mesh=mesh,
        out_type=jax.ShapeDtypeStruct((_ROWS, _N), jnp.float32),
        scratch_types=[
            pltpu.VMEM((_CHUNK, _N), jnp.float32),
            pltpu.VMEM((_CHUNK, _N), jnp.float32),
            pltpu.SemaphoreType.DMA,
            pltpu.SemaphoreType.DMA,
            pltpu.SemaphoreType.DMA,
            pltpu.SemaphoreType.DMA,
        ],
    )(_sc_copy)
    out = k(xf)
    return out.reshape(b, m, n)

# --- scband reference (transcript-rebuilt; emitter-appended) ---
"""Pipeline reference for scband-q-act-13176959664395 (READ-ONLY COPY).

The authoritative reference and input builder live on the scoring server;
editing this copy changes nothing except your own understanding.
"""

import jax, jax.numpy as jnp
import numpy as np

# Q_Act is an activation fake-quantizer. Its __init__ takes no args and sets
# n_lv = 0 (quantization disabled until set_bits() is called). With the default
# configuration (n_lv == 0, qmax = -1, qmin = 1 which is an empty clamp range),
# the standard forward path for this quantizer family is a pass-through:
#   if self.n_lv == 0: return x
# We reproduce that default-configuration forward faithfully. For completeness
# we also materialize the learned scale parameter s (shape [1]) which the
# quantize path `scale * clamp(round(x/scale), qmin, qmax)` would use when
# n_lv > 0.

N_LV = 0  # default from __init__; set_bits() was never called
QMAX = N_LV // 2 - 1
QMIN = -QMAX


def _quantize_efficient(x_round, scale, qmin, qmax, zero=0.0):
    q = jnp.clip(x_round + zero, qmin, qmax)
    return scale * (q - zero)


def setup_inputs(seed: int = 0) -> dict:
    key = jax.random.key(seed)
    kx, ks = jax.random.split(key)
    x = jax.random.normal(kx, (4, 4096, 2048), dtype=jnp.float32)
    # learned per-tensor scale parameter (Parameter(torch.Tensor(1)))
    s = jnp.ones((1,), dtype=jnp.float32) * 0.05
    return {"x": x, "s": s}


def reference(x, s):
    if N_LV == 0:
        # default Q_Act configuration: quantization disabled, identity forward
        return x
    # quantize path (unused with default init, kept for faithfulness)
    x_round = jnp.round(x / s)  # RoundQuant: round with STE
    return _quantize_efficient(x_round, s, QMIN, QMAX)

if __name__ == "__main__":
    import jax
    _d = setup_inputs()
    print(jax.jit(kernel)(*tuple(_d.values())))

</pallas_src>

<mosaic_0001>
#map = affine_map<(d0, d1) -> (0, 0)>
module attributes {stable_mosaic.version = 14 : i64} {
  func.func @_sc_copy(%arg0: i32, %arg1: i32, %arg2: memref<16384x2048xf32, #tpu.memory_space<hbm>>, %arg3: memref<16384x2048xf32, #tpu.memory_space<hbm>>, %arg4: memref<16x2048xf32, #tpu.memory_space<vmem>>, %arg5: memref<16x2048xf32, #tpu.memory_space<vmem>>, %arg6: memref<!tpu.dma_semaphore, #tpu.memory_space<semaphore_mem>>, %arg7: memref<!tpu.dma_semaphore, #tpu.memory_space<semaphore_mem>>, %arg8: memref<!tpu.dma_semaphore, #tpu.memory_space<semaphore_mem>>, %arg9: memref<!tpu.dma_semaphore, #tpu.memory_space<semaphore_mem>>) attributes {dimension_semantics = [#tpu.dimension_semantics<core_parallel>, #tpu.dimension_semantics<subcore_parallel>], iteration_bounds = array<i64: 2, 16>, scalar_prefetch = 0 : i64, scratch_operands = 6 : i64, tpu.core_type = #tpu.core_type<sc_vector_subcore>, window_params = [{transform_indices = #map}, {transform_indices = #map}]} {
    %mul3A = arith.constant 2 : i32
    %mul3A_0 = arith.muli %arg1, %mul3A : i32
    %add3A = arith.addi %mul3A_0, %arg0 : i32
    %mul3A_1 = arith.constant 512 : i32
    %mul3A_2 = arith.muli %add3A, %mul3A_1 : i32
    %dma_start3A = arith.constant 0 : i32
    %dma_start3A_3 = tpu.memref_slice %arg2[%mul3A_2, %dma_start3A] : memref<16384x2048xf32, #tpu.memory_space<hbm>> -> memref<16x2048xf32, #tpu.memory_space<hbm>>
    %dma_start3A_4 = arith.constant 0 : i32
    %dma_start3A_5 = tpu.memref_slice %arg2[%mul3A_2, %dma_start3A_4] : memref<16384x2048xf32, #tpu.memory_space<hbm>> -> memref<16x2048xf32, #tpu.memory_space<hbm>>
    tpu.enqueue_dma source(%dma_start3A_5 : memref<16x2048xf32, #tpu.memory_space<hbm>>) target(%arg4 : memref<16x2048xf32, #tpu.memory_space<vmem>>) target_semaphore(%arg6 : memref<!tpu.dma_semaphore, #tpu.memory_space<semaphore_mem>>)
    %scan3A = arith.constant 0 : i32
    %scan3A_6 = arith.constant 0 : i32
    %scan3A_7 = arith.constant 32 : i32
    %scan3A_8 = arith.addi %scan3A_6, %scan3A_7 : i32
    %scan3A_9 = arith.constant 1 : i32
    %scan3A_10 = scf.for %scan3A_23 = %scan3A_6 to %scan3A_8 step %scan3A_9 iter_args(%scan3A_24 = %scan3A) -> (i32)  : i32 {
      %rem3A = arith.constant 2 : i32
      %rem3A_25 = arith.remsi %scan3A_23, %rem3A : i32
      %mul3A_26 = arith.constant 16 : i32
      %mul3A_27 = arith.muli %scan3A_23, %mul3A_26 : i32
      %add3A_28 = arith.addi %mul3A_2, %mul3A_27 : i32
      %eq3A = arith.constant 0 : i32
      %eq3A_29 = arith.cmpi eq, %rem3A_25, %eq3A : i32
      %convert_element_type3A = arith.extui %eq3A_29 : i1 to i32
      %cond3A = arith.constant 0 : i32
      %cond3A_30 = arith.cmpi ne, %convert_element_type3A, %cond3A : i32
      scf.if %cond3A_30 {
        %dma_wait3A_37 = arith.constant 0 : i32
        %dma_wait3A_38 = tpu.memref_slice %arg2[%add3A_28, %dma_wait3A_37] : memref<16384x2048xf32, #tpu.memory_space<hbm>> -> memref<16x2048xf32, #tpu.memory_space<hbm>>
        %dma_wait3A_39 = arith.constant 0 : i32
        %dma_wait3A_40 = tpu.memref_slice %arg2[%add3A_28, %dma_wait3A_39] : memref<16384x2048xf32, #tpu.memory_space<hbm>> -> memref<16x2048xf32, #tpu.memory_space<hbm>>
        tpu.wait_dma2 semaphore(%arg6 : memref<!tpu.dma_semaphore, #tpu.memory_space<semaphore_mem>>) src(%dma_wait3A_40 : memref<16x2048xf32, #tpu.memory_space<hbm>>) dst(%arg4 : memref<16x2048xf32, #tpu.memory_space<vmem>>)
        %ge3A = arith.constant 2 : i32
        %ge3A_41 = arith.cmpi sge, %scan3A_23, %ge3A : i32
        %convert_element_type3A_42 = arith.extui %ge3A_41 : i1 to i32
        %cond3A_43 = arith.constant 0 : i32
        %cond3A_44 = arith.cmpi ne, %convert_element_type3A_42, %cond3A_43 : i32
        scf.if %cond3A_44 {
          %sub3A = arith.constant 32 : i32
          %sub3A_55 = arith.subi %add3A_28, %sub3A : i32
          %dma_wait3A_56 = arith.constant 0 : i32
          %dma_wait3A_57 = tpu.memref_slice %arg3[%sub3A_55, %dma_wait3A_56] : memref<16384x2048xf32, #tpu.memory_space<hbm>> -> memref<16x2048xf32, #tpu.memory_space<hbm>>
          %dma_wait3A_58 = arith.constant 0 : i32
          %dma_wait3A_59 = tpu.memref_slice %arg3[%sub3A_55, %dma_wait3A_58] : memref<16384x2048xf32, #tpu.memory_space<hbm>> -> memref<16x2048xf32, #tpu.memory_space<hbm>>
          tpu.wait_dma2 semaphore(%arg8 : memref<!tpu.dma_semaphore, #tpu.memory_space<semaphore_mem>>) src(%arg4 : memref<16x2048xf32, #tpu.memory_space<vmem>>) dst(%dma_wait3A_59 : memref<16x2048xf32, #tpu.memory_space<hbm>>)
        } else {
        }
        %add3A_45 = arith.constant 1 : i32
        %add3A_46 = arith.addi %scan3A_23, %add3A_45 : i32
        %lt3A = arith.constant 32 : i32
        %lt3A_47 = arith.cmpi slt, %add3A_46, %lt3A : i32
        %convert_element_type3A_48 = arith.extui %lt3A_47 : i1 to i32
        %cond3A_49 = arith.constant 0 : i32
        %cond3A_50 = arith.cmpi ne, %convert_element_type3A_48, %cond3A_49 : i32
        scf.if %cond3A_50 {
          %add3A_55 = arith.constant 16 : i32
          %add3A_56 = arith.addi %add3A_28, %add3A_55 : i32
          %dma_start3A_57 = arith.constant 0 : i32
          %dma_start3A_58 = tpu.memref_slice %arg2[%add3A_56, %dma_start3A_57] : memref<16384x2048xf32, #tpu.memory_space<hbm>> -> memref<16x2048xf32, #tpu.memory_space<hbm>>
          %dma_start3A_59 = arith.constant 0 : i32
          %dma_start3A_60 = tpu.memref_slice %arg2[%add3A_56, %dma_start3A_59] : memref<16384x2048xf32, #tpu.memory_space<hbm>> -> memref<16x2048xf32, #tpu.memory_space<hbm>>
          tpu.enqueue_dma source(%dma_start3A_60 : memref<16x2048xf32, #tpu.memory_space<hbm>>) target(%arg5 : memref<16x2048xf32, #tpu.memory_space<vmem>>) target_semaphore(%arg7 : memref<!tpu.dma_semaphore, #tpu.memory_space<semaphore_mem>>)
        } else {
        }
        %dma_start3A_51 = arith.constant 0 : i32
        %dma_start3A_52 = tpu.memref_slice %arg3[%add3A_28, %dma_start3A_51] : memref<16384x2048xf32, #tpu.memory_space<hbm>> -> memref<16x2048xf32, #tpu.memory_space<hbm>>
        %dma_start3A_53 = arith.constant 0 : i32
        %dma_start3A_54 = tpu.memref_slice %arg3[%add3A_28, %dma_start3A_53] : memref<16384x2048xf32, #tpu.memory_space<hbm>> -> memref<16x2048xf32, #tpu.memory_space<hbm>>
        tpu.enqueue_dma source(%arg4 : memref<16x2048xf32, #tpu.memory_space<vmem>>) target(%dma_start3A_54 : memref<16x2048xf32, #tpu.memory_space<hbm>>) target_semaphore(%arg8 : memref<!tpu.dma_semaphore, #tpu.memory_space<semaphore_mem>>)
      } else {
      }
      %eq3A_31 = arith.constant 1 : i32
      %eq3A_32 = arith.cmpi eq, %rem3A_25, %eq3A_31 : i32
      %convert_element_type3A_33 = arith.extui %eq3A_32 : i1 to i32
      %cond3A_34 = arith.constant 0 : i32
      %cond3A_35 = arith.cmpi ne, %convert_element_type3A_33, %cond3A_34 : i32
      scf.if %cond3A_35 {
        %dma_wait3A_37 = arith.constant 0 : i32
        %dma_wait3A_38 = tpu.memref_slice %arg2[%add3A_28, %dma_wait3A_37] : memref<16384x2048xf32, #tpu.memory_space<hbm>> -> memref<16x2048xf32, #tpu.memory_space<hbm>>
        %dma_wait3A_39 = arith.constant 0 : i32
        %dma_wait3A_40 = tpu.memref_slice %arg2[%add3A_28, %dma_wait3A_39] : memref<16384x2048xf32, #tpu.memory_space<hbm>> -> memref<16x2048xf32, #tpu.memory_space<hbm>>
        tpu.wait_dma2 semaphore(%arg7 : memref<!tpu.dma_semaphore, #tpu.memory_space<semaphore_mem>>) src(%dma_wait3A_40 : memref<16x2048xf32, #tpu.memory_space<hbm>>) dst(%arg5 : memref<16x2048xf32, #tpu.memory_space<vmem>>)
        %ge3A = arith.constant 2 : i32
        %ge3A_41 = arith.cmpi sge, %scan3A_23, %ge3A : i32
        %convert_element_type3A_42 = arith.extui %ge3A_41 : i1 to i32
        %cond3A_43 = arith.constant 0 : i32
        %cond3A_44 = arith.cmpi ne, %convert_element_type3A_42, %cond3A_43 : i32
        scf.if %cond3A_44 {
          %sub3A = arith.constant 32 : i32
          %sub3A_55 = arith.subi %add3A_28, %sub3A : i32
          %dma_wait3A_56 = arith.constant 0 : i32
          %dma_wait3A_57 = tpu.memref_slice %arg3[%sub3A_55, %dma_wait3A_56] : memref<16384x2048xf32, #tpu.memory_space<hbm>> -> memref<16x2048xf32, #tpu.memory_space<hbm>>
          %dma_wait3A_58 = arith.constant 0 : i32
          %dma_wait3A_59 = tpu.memref_slice %arg3[%sub3A_55, %dma_wait3A_58] : memref<16384x2048xf32, #tpu.memory_space<hbm>> -> memref<16x2048xf32, #tpu.memory_space<hbm>>
          tpu.wait_dma2 semaphore(%arg9 : memref<!tpu.dma_semaphore, #tpu.memory_space<semaphore_mem>>) src(%arg5 : memref<16x2048xf32, #tpu.memory_space<vmem>>) dst(%dma_wait3A_59 : memref<16x2048xf32, #tpu.memory_space<hbm>>)
        } else {
        }
        %add3A_45 = arith.constant 1 : i32
        %add3A_46 = arith.addi %scan3A_23, %add3A_45 : i32
        %lt3A = arith.constant 32 : i32
        %lt3A_47 = arith.cmpi slt, %add3A_46, %lt3A : i32
        %convert_element_type3A_48 = arith.extui %lt3A_47 : i1 to i32
        %cond3A_49 = arith.constant 0 : i32
        %cond3A_50 = arith.cmpi ne, %convert_element_type3A_48, %cond3A_49 : i32
        scf.if %cond3A_50 {
          %add3A_55 = arith.constant 16 : i32
          %add3A_56 = arith.addi %add3A_28, %add3A_55 : i32
          %dma_start3A_57 = arith.constant 0 : i32
          %dma_start3A_58 = tpu.memref_slice %arg2[%add3A_56, %dma_start3A_57] : memref<16384x2048xf32, #tpu.memory_space<hbm>> -> memref<16x2048xf32, #tpu.memory_space<hbm>>
          %dma_start3A_59 = arith.constant 0 : i32
          %dma_start3A_60 = tpu.memref_slice %arg2[%add3A_56, %dma_start3A_59] : memref<16384x2048xf32, #tpu.memory_space<hbm>> -> memref<16x2048xf32, #tpu.memory_space<hbm>>
          tpu.enqueue_dma source(%dma_start3A_60 : memref<16x2048xf32, #tpu.memory_space<hbm>>) target(%arg4 : memref<16x2048xf32, #tpu.memory_space<vmem>>) target_semaphore(%arg6 : memref<!tpu.dma_semaphore, #tpu.memory_space<semaphore_mem>>)
        } else {
        }
        %dma_start3A_51 = arith.constant 0 : i32
        %dma_start3A_52 = tpu.memref_slice %arg3[%add3A_28, %dma_start3A_51] : memref<16384x2048xf32, #tpu.memory_space<hbm>> -> memref<16x2048xf32, #tpu.memory_space<hbm>>
        %dma_start3A_53 = arith.constant 0 : i32
        %dma_start3A_54 = tpu.memref_slice %arg3[%add3A_28, %dma_start3A_53] : memref<16384x2048xf32, #tpu.memory_space<hbm>> -> memref<16x2048xf32, #tpu.memory_space<hbm>>
        tpu.enqueue_dma source(%arg5 : memref<16x2048xf32, #tpu.memory_space<vmem>>) target(%dma_start3A_54 : memref<16x2048xf32, #tpu.memory_space<hbm>>) target_semaphore(%arg9 : memref<!tpu.dma_semaphore, #tpu.memory_space<semaphore_mem>>)
      } else {
      }
      %scan3A_36 = arith.constant 0 : i32
      scf.yield %scan3A_36 : i32
    }
    %scan3A_11 = arith.constant 32 : i32
    %add3A_12 = arith.constant 480 : i32
    %add3A_13 = arith.addi %mul3A_2, %add3A_12 : i32
    %dma_wait3A = arith.constant 0 : i32
    %dma_wait3A_14 = tpu.memref_slice %arg3[%add3A_13, %dma_wait3A] : memref<16384x2048xf32, #tpu.memory_space<hbm>> -> memref<16x2048xf32, #tpu.memory_space<hbm>>
    %dma_wait3A_15 = arith.constant 0 : i32
    %dma_wait3A_16 = tpu.memref_slice %arg3[%add3A_13, %dma_wait3A_15] : memref<16384x2048xf32, #tpu.memory_space<hbm>> -> memref<16x2048xf32, #tpu.memory_space<hbm>>
    tpu.wait_dma2 semaphore(%arg8 : memref<!tpu.dma_semaphore, #tpu.memory_space<semaphore_mem>>) src(%arg4 : memref<16x2048xf32, #tpu.memory_space<vmem>>) dst(%dma_wait3A_16 : memref<16x2048xf32, #tpu.memory_space<hbm>>)
    %add3A_17 = arith.constant 496 : i32
    %add3A_18 = arith.addi %mul3A_2, %add3A_17 : i32
    %dma_wait3A_19 = arith.constant 0 : i32
    %dma_wait3A_20 = tpu.memref_slice %arg3[%add3A_18, %dma_wait3A_19] : memref<16384x2048xf32, #tpu.memory_space<hbm>> -> memref<16x2048xf32, #tpu.memory_space<hbm>>
    %dma_wait3A_21 = arith.constant 0 : i32
    %dma_wait3A_22 = tpu.memref_slice %arg3[%add3A_18, %dma_wait3A_21] : memref<16384x2048xf32, #tpu.memory_space<hbm>> -> memref<16x2048xf32, #tpu.memory_space<hbm>>
    tpu.wait_dma2 semaphore(%arg9 : memref<!tpu.dma_semaphore, #tpu.memory_space<semaphore_mem>>) src(%arg5 : memref<16x2048xf32, #tpu.memory_space<vmem>>) dst(%dma_wait3A_22 : memref<16x2048xf32, #tpu.memory_space<hbm>>)
    return
  }
}

</mosaic_0001>

<sc_bundles>
// kernel: kernel.3.cloned.1.call-start
scs
__scs_entry_jumppad:
0x0: {  	(pc) =	sbr.rel $0x88, $3  }
0x1: {  	(tag) =	ssettag $0x0;
	lr =	simm.s32 $0x1  }
0x2: {  	[smem:$0x3FA0] =	sst lr;
	_ =	strace $0xD0000000  }
0x3: {  	_ = 	snop  }
0x4: {  	_ = 	snop  }
0x5: {  	_ = 	snop  }
0x6: {  	_ = 	snop  }
0x7: {  	_ = 	snop  }
__scs_overlays_trampoline_lowered:
0x8: {  	[smem:$0x3FAF] =	sst s0  }
0x9: {  	[smem:$0x3FB0] =	sst s1  }
0xa: {  	[smem:$0x3FB1] =	sst s2  }
0xb: {  	[smem:$0x3FB2] =	sst s3  }
0xc: {  	[smem:$0x3FB3] =	sst s4  }
0xd: {  	[smem:$0x3FB4] =	sst s5  }
0xe: {  	[smem:$0x3FB5] =	sst s6  }
0xf: {  	[smem:$0x3FB6] =	sst s7  }
0x10: {  	[smem:$0x3FB7] =	sst s8  }
0x11: {  	[smem:$0x3FB8] =	sst s9;
	s0 =	simm.s32 @!p0 $0x0  }
0x12: {  	s1 =	sld [smem:$0x3F9E];
	s0 =	simm.s32 @p0 $0x1  }
0x13: {  	[smem:$0x3FB9] =	sst s0;
	s0 =	simm.s32 @!p1 $0x0  }
0x14: {  	s2 =	sld [smem:$0x3F9D];
	s0 =	simm.s32 @p1 $0x1  }
0x15: {  	[smem:$0x3FBA] =	sst s0;
	s0 =	simm.s32 @!p2 $0x0  }
0x16: {  	s3 =	sld [smem:$0x3FDB];
	s0 =	simm.s32 @p2 $0x1  }
0x17: {  	s4 =	simm.s32 $0x1BF5;
	[smem:$0x3FBC] =	sst s0  }
0x18: {  	s0 =	sld [smem:$0x3F9F];
	_ =	swait.ge [sflag:s4], $0x0  }
0x19: {  	s7 =	sld [smem:$0x3FA0]  }
0x1a: {  	s8 =	sadd.s32 $0xFFFFE003, lr  }
0x1b: {  	s9 =	sadd.s32 $0xFFFFFEF7, lr;
	s5 =	simm.s32 $0xFFFFFFFF;
	p2 =	slt.u32 s8, $0xFFFFF086  }
0x1c: {  	p1 =	slt.u32 s9, $0xF7A;
	s5 =	simm.s32 @!p2 $0x0  }
0x1d: {  	s5 =	simm.s32 @p1 $0x1;
	p0 =	seq.s32 s7, s2  }
0x1e: {  	s7 =	smul.u32 @!p0 $0xF7A, s2;
	p2 =	seq.s32 @!p0 s5, $0x0  }
0x1f: {  	s9 =	smul.u32 $0xF7A, s1;
	s8 =	simm.s32 @!p0 $0x1BF5;
	p2 =	por !p2, p0  }
0x20: {  	[sflag:s8] =	ssyncset.s32 @!p0 $0xFFFFF086;
	s6 =	sadd.s32 @!p0 s3, s7;
	s7 =	simm.s32 @!p0 $0x108  }
0x21: {  	s3 =	sadd.s32 s3, s9;
	s6 =	sadd.s32 @!p0 $0x88, s6;
	s7 =	simm.s32 @p2 $0x1082  }
0x22: {  	[simem:s7], [sflag:s8] =	dma.local @!p0 [hbm:s6], $0xF7A  }
0x23: {  	s9 =	sor.u32 $0xD0000000, s2;
	s6 =	simm.s32 $0x108;
	_ =	swait.ge @!p0 [sflag:s8], $0x0  }
0x24: {  	s3 =	sadd.s32 $0x88, s3;
	s6 =	simm.s32 @!p1 $0x1082;
	[sflag:s4] =	ssyncset.s32 $0xFFFFF086  }
0x25: {  	[simem:s6], [sflag:s4] =	dma.local [hbm:s3], $0xF7A  }
0x26: {  	[smem:$0x3FA0] =	sst s1;
	(tag) =	ssettag s2;
	_ =	strace s9  }
0x27: {  	s1 =	sld [smem:$0x3FB0]  }
0x28: {  	s2 =	sld [smem:$0x3FB1]  }
0x29: {  	s4 =	sld [smem:$0x3FB3]  }
0x2a: {  	p0 =	seq.s32 s5, $0x0;
	s5 =	sld [smem:$0x3FB4]  }
0x2b: {  	s6 =	sld [smem:$0x3FB5]  }
0x2c: {  	s7 =	sld [smem:$0x3FB6]  }
0x2d: {  	s3 =	simm.s32 $0x108;
	s8 =	sld [smem:$0x3FB7]  }
0x2e: {  	s3 =	simm.s32 @!p0 $0x1082;
	s9 =	sld [smem:$0x3FB8]  }
0x2f: {  	lr =	sadd.s32 s0, s3;
	s0 =	sld [smem:$0x3FAF]  }
0x30: {  	s3 =	sld [smem:$0x3FB2]  }
0x31: {  	[smem:$0x3FBB] =	sst s10  }
0x32: {  	s10 =	sld [smem:$0x3FB9];
	_ =	sdelay $0x3  }
0x33: {  	p0 =	seq.s32 s10, $0x1;
	s10 =	sld [smem:$0x3FBB];
	_ =	sdelay $0x3  }
0x34: {  	[smem:$0x3FBB] =	sst s10  }
0x35: {  	s10 =	sld [smem:$0x3FBA];
	_ =	sdelay $0x3  }
0x36: {  	p1 =	seq.s32 s10, $0x1;
	s10 =	sld [smem:$0x3FBB];
	_ =	sdelay $0x3  }
0x37: {  	[smem:$0x3FBB] =	sst s10  }
0x38: {  	s10 =	sld [smem:$0x3FBC]  }
0x39: {  	_ = 	snop;
	(pc) =	sbr.ind lr, $3  }
0x3a: {  	_ = 	snop  }
0x3b: {  	_ = 	snop  }
0x3c: {  	p2 =	seq.s32 s10, $0x1;
	s10 =	sld [smem:$0x3FBB]  }
0x3d: {  	_ =	shalt  }
0x3e: {  	_ =	shalt  }
0x3f: {  	_ =	shalt  }
0x40: {  	_ =	shalt  }
0x41: {  	_ =	shalt  }
0x42: {  	_ =	shalt  }
0x43: {  	_ =	shalt  }
0x44: {  	_ =	shalt  }
0x45: {  	_ =	shalt  }
0x46: {  	_ =	shalt  }
0x47: {  	_ =	shalt  }
0x48: {  	_ =	shalt  }
0x49: {  	_ =	shalt  }
0x4a: {  	_ =	shalt  }
0x4b: {  	_ =	shalt  }
0x4c: {  	_ =	shalt  }
0x4d: {  	_ =	shalt  }
0x4e: {  	_ =	shalt  }
0x4f: {  	_ =	shalt  }
0x50: {  	_ =	shalt  }
0x51: {  	_ =	shalt  }
0x52: {  	_ =	shalt  }
0x53: {  	_ =	shalt  }
0x54: {  	_ =	shalt  }
0x55: {  	_ =	shalt  }
0x56: {  	_ =	shalt  }
0x57: {  	_ =	shalt  }
0x58: {  	_ =	shalt  }
0x59: {  	_ =	shalt  }
0x5a: {  	_ =	shalt  }
0x5b: {  	_ =	shalt  }
0x5c: {  	_ =	shalt  }
0x5d: {  	_ =	shalt  }
0x5e: {  	_ =	shalt  }
0x5f: {  	_ =	shalt  }
0x60: {  	_ =	shalt  }
0x61: {  	_ =	shalt  }
0x62: {  	_ =	shalt  }
0x63: {  	_ =	shalt  }
0x64: {  	_ =	shalt  }
0x65: {  	_ =	shalt  }
0x66: {  	_ =	shalt  }
0x67: {  	_ =	shalt  }
0x68: {  	_ =	shalt  }
0x69: {  	_ =	shalt  }
0x6a: {  	_ =	shalt  }
0x6b: {  	_ =	shalt  }
0x6c: {  	_ =	shalt  }
0x6d: {  	_ =	shalt  }
0x6e: {  	_ =	shalt  }
0x6f: {  	_ =	shalt  }
0x70: {  	_ =	shalt  }
0x71: {  	_ =	shalt  }
0x72: {  	_ =	shalt  }
0x73: {  	_ =	shalt  }
0x74: {  	_ =	shalt  }
0x75: {  	_ =	shalt  }
0x76: {  	_ =	shalt  }
0x77: {  	_ =	shalt  }
0x78: {  	_ =	shalt  }
0x79: {  	_ =	shalt  }
0x7a: {  	_ =	shalt  }
0x7b: {  	_ =	shalt  }
0x7c: {  	_ =	shalt  }
0x7d: {  	_ =	shalt  }
0x7e: {  	_ =	shalt  }
0x7f: {  	_ =	shalt  }
0x80: {  	_ =	shalt  }
0x81: {  	_ =	shalt  }
0x82: {  	_ =	shalt  }
0x83: {  	_ =	shalt  }
0x84: {  	_ =	shalt  }
0x85: {  	_ =	shalt  }
0x86: {  	_ =	shalt  }
0x87: {  	_ =	shalt  }
.Lfunc_end0:
.L_simem_size_0:
called_computation_lowered:
.L_overlay_start_0:
0x88: {  	s2 =	sld [smem:$0x3FD9]  }
0x89: {  	s3 =	sld [smem:$0x3FFE];
	_ =	sdelay $0x1  }
0x8a: {  	s1 =	srdreg.scid  }
0x8b: {  	s0 =	sand.u32 $0x1, s1  }
0x8c: {  	s18 =	sshll.u32 s0, $0xA;
	s2 =	sadd.s32 s3, s2  }
0x8d: {  	s2 =	sadd.s32 s2, s18  }
0x8e: {  	[smem:$0x3FC7] =	sst s2  }
0x8f: {  	_ = 	snop  }
0x90: {  	s2 =	sld [smem:$0x3FC9]  }
0x91: {  	s19 =	sld [smem:$0x3FD0];
	(tm) =	ssettm $0x1  }
0x92: {  	s4 =	sld [smem:$0x3FFB];
	_ =	sdelay $0x3  }
0x93: {  	_ =	strace s4  }
0x94: {  	s4 =	sld [smem:$0x3FFC];
	_ =	sdelay $0x3  }
0x95: {  	_ =	strace s4  }
0x96: {  	s4 =	sld [smem:$0x3FFD];
	_ =	sdelay $0x3  }
0x97: {  	_ =	strace s4  }
0x98: {  	_ =	strace $0x8FFFFFFF  }
0x99: {  	s20 =	sld [smem:$0x3FDB];
	_ =	sdelay $0x1  }
0x9a: {  	s5 =	simm.s32 $_scs_section_size  }
0x9b: {  	s6 =	simm.s32 $_size__tile_overlayer_lowered;
	s7 =	simm.s32 $_tile_overlayer_lowered  }
0x9c: {  	s23 =	simm.s32 $0x1BFF;
	s22 =	sshll.u32 s7, $0x1;
	s4 =	sadd.s32 s5, s20  }
0x9d: {  	s8 =	simm.s32 $0x0;
	s21 =	sshll.u32 s6, $0x1;
	s6 =	sadd.s32 s22, s4  }
0x9e: {  	[timem:s8], [sflag:s23] =	dma.local [hbm:s6], s21  }
0x9f: {  	_ =	swait.ge [sflag:s23], s21  }
0xa0: {  	s5 =	ssub.s32 $0x0, s21;
	[sflag:s23] =	ssyncset.done $0x0  }
0xa1: {  	[sflag:s23] =	ssyncadd.s32 s5;
	_ =	sdelay $0x1  }
0xa2: {  	s24 =	simm.s32 $0x1B8B  }
0xa3: {  	_ =	swait.ge [sflag:s24], $0x1  }
0xa4: {  	[sflag:s24] =	ssyncset.done $0x0  }
0xa5: {  	s25 =	simm.s32 $0x1B8E;
	[sflag:s24] =	ssyncadd.s32 $0xFFFFFFFF  }
0xa6: {  	s26 =	simm.s32 $execute0_lowered;
	[smem:$0x3FD2] =	sst s25  }
0xa7: {  	s5 =	sshll.u32 s26, $0x1;
	_ =	strace $0x80000046;
	[dreg:$0x1] =	wrdreg $0xFFFFFFFF  }
0xa8: {  	s28 =	simm.s32 $_size_execute0_lowered;
	s4 =	sadd.s32 s4, s5;
	[dreg:$0x0] =	wrdreg $0x0  }
0xa9: {  	s5 =	sshll.u32 s28, $0x1;
	[dreg:$0x2] =	wrdreg s4  }
0xaa: {  	[dreg:$0x3] =	wrdreg s5  }
0xab: {  	[dreg:$0x4] =	wrdreg $0xC0  }
0xac: {  	_ =	task [dreg:s8], $0x5FFFF  }
0xad: {  	[dreg:$0x1] =	wrdreg $0xFFFFFFFF  }
0xae: {  	[dreg:$0x0] =	wrdreg $0x60  }
0xaf: {  	[dreg:$0x2] =	wrdreg s2  }
0xb0: {  	[dreg:$0x3] =	wrdreg s19  }
0xb1: {  	[dreg:$0x4] =	wrdreg $0x9  }
0xb2: {  	_ =	task.clear_ibuf [dreg:s8], $0x5FFFF;
	_ =	strace $0x90000046  }
0xb3: {  	s29 =	simm.s32 $0x9;
	_ =	strace $0x80000048  }
0xb4: {  	_ =	swait.ge [sflag:s29], $0x1  }
0xb5: {  	[sflag:s29] =	ssyncadd.s32 $0xFFFFFFFF  }
0xb6: {  	_ =	strace $0x90000048  }
0xb7: {  	_ =	sfence  }
0xb8: {  	s30 =	sld [smem:$0x0];
	_ =	sdelay $0x2  }
0xb9: {  	s31 =	sshll.u32 s1, $0xD;
	s1 =	sshrl.u32 s1, $0x2  }
0xba: {  	s3 =	sand.u32 $0x4000, s31;
	s1 =	sadd.s32 s1, s30  }
0xbb: {  	s0 =	sor.u32 s3, s0;
	s1 =	sshll.u32 s1, $0x11  }
0xbc: {  	s0 =	sor.u32 s1, s0  }
0xbd: {  	s0 =	sadd.s32 $0x8F2B, s0  }
0xbe: {  	[sflag:s0] =	ssyncadd.remote.s32 $0x1  }
0xbf: {  	_ =	sfence.sel $0xFFFF  }
0xc0: {  	[dreg:$0x0] =	wrdreg $0xFFFFFFFF;
	(pc) =	sbr.abs _section_cstart, $3  }
0xc1: {  	[dreg:$0x1] =	wrdreg $0xFFFFFFFF  }
0xc2: {  	_ =	task.clear_ibuf [dreg:s8], $0x2FFFF;
	_ =	strace $0x9FFFFFFF  }
0xc3: {  	(tm) =	ssettm $0x7FFFFFFF  }
tec
execute0_lowered:
.L_overlay_start_1:
0x0: {  	(tag) =	ssettag $0x1  }
0x1: {  	s8 =	rddreg [dreg:$0x0]  }
0x2: {  	s9 =	rddreg [dreg:$0x1];
	s1 =	srdreg.scid  }
0x3: {  	s0 =	rddreg [dreg:$0x2];
	s2 =	simm.s32 $0x0;
	s15 =	simm.s32 $0x4  }
0x4: {  	s16 =	simm.s32 $0x3;
	s17 =	simm.s32 $0x0;
	s3 =	sand.u32 $0x1, s1  }
0x5: {  	[smem:$0x7FF] =	sst s2;
	s1 =	stileid.u32;
	s13 =	sadd.s32 $0x1000, s8  }
0x6: {  	s4 =	ssub.s32 $0x2, s3;
	s10 =	sshll.u32 s1, $0x12;
	s11 =	sshll.u32 s3, $0x11  }
0x7: {  	_ =	strace $0x80000047;
	s5 =	sshrl.u32 s4, $0x1;
	s12 =	sor.u32 s11, s10  }
0x8: {  	s14 =	sadd.s32 s10, s9;
	s10 =	sadd.s32 s10, s8;
	s5 =	ssub.s32 s4, s5  }
0x9: {  	s3 =	sadd.s32 s8, s12;
	s4 =	sadd.s32 s9, s12;
	s7 =	sadd.s32 s12, s13  }
0xa: {  	s12 =	sor.u32 $0x1000, s12;
	s31 =	sadd.s32 s11, s14;
	s11 =	sadd.s32 s11, s10  }
0xb: {  	s14 =	simm.s32 $0x2;
	s5 =	smax.u32 s5, $0x1;
	s6 =	sadd.s32 $0x1F000, s4  }
0xc: {  	s8 =	sadd.s32 s12, s13;
	s9 =	sadd.s32 s9, s12;
	s10 =	sadd.s32 $0x2000, s31  }
0xd: {  	s11 =	sadd.s32 $0x3000, s11;
	s12 =	simm.s32 $0x1;
	s13 =	simm.s32 $0x8000  }
.LBB2_1:
0xe: {  	[tilespmem:s2], [sflag:$0x1] =	stream.linear.gather [hbm4b:s3+s2], $0x8000, $0x38;
	[tilespmem:$0x10000] =	vst v63  }
0xf: {  	_ =	swait.ge [sflag:s12], $0x8000  }
0x10: {  	[sflag:s12] =	ssyncset.done $0x0  }
0x11: {  	[sflag:s12] =	ssyncadd.s32 $0xFFFF8000  }
0x12: {  	[tilespmem:s13], [sflag:$0x2] =	stream.linear.gather [hbm4b:s7+s2], $0x8000, $0x38;
	[tilespmem:$0x10000] =	vst v63  }
0x13: {  	_ = 	snop  }
0x14: {  	[hbm4b:s4+s2] =	stream.linear.scatter [tilespmem:s2], [sflag:$0x3], $0x8000, $0x38;
	[tilespmem:$0x10000] =	vst v63  }
0x15: {  	_ =	swait.ge [sflag:s14], $0x8000  }
0x16: {  	s18 =	sand.u32 $0x1, s14;
	[sflag:s14] =	ssyncset.done $0x0  }
0x17: {  	p0 =	seq.s32 s18, $0x1;
	[sflag:s14] =	ssyncadd.s32 $0xFFFF8000  }
0x18: {  	[tilespmem:s2], [sflag:$0x1] =	stream.linear.gather [hbm4b:s8+s2], $0x8000, $0x38;
	[tilespmem:$0x10000] =	vst v63  }
0x19: {  	s18 =	simm.s32 @p0 $0x2  }
0x1a: {  	[hbm4b:s9+s2] =	stream.linear.scatter [tilespmem:s13], [sflag:$0x4], $0x8000, $0x38;
	[tilespmem:$0x10000] =	vst v63  }
0x1b: {  	_ =	swait.ge @p0 [sflag:s18], $0x8000  }
0x1c: {  	[sflag:s18] =	ssyncset.done @p0 $0x0;
	p0 =	por p0, p0  }
0x1d: {  	[sflag:s18] =	ssyncadd.s32 @p0 $0xFFFF8000;
	s18 =	simm.s32 @p0 $0x4  }
0x1e: {  	_ =	swait.ge @p0 [sflag:s18], $0x8000  }
0x1f: {  	[sflag:s18] =	ssyncset.done @p0 $0x0  }
0x20: {  	[sflag:s18] =	ssyncadd.s32 @p0 $0xFFFF8000;
	s18 =	simm.s32 @p0 $0x0  }
0x21: {  	[tilespmem:s18], [sflag:$0x1] =	stream.linear.gather @p0 [hbm4b:s11+s18], $0x8000, $0x38;
	[tilespmem:$0x10000] =	vst v63  }
0x22: {  	s19 =	simm.s32 @p0 $0x8000;
	s21 =	simm.s32 @!p0 $0x1  }
0x23: {  	[hbm4b:s10+s18] =	stream.linear.scatter @p0 [tilespmem:s19], [sflag:$0x4], $0x8000, $0x38;
	[tilespmem:$0x10000] =	vst v63  }
0x24: {  	s31 =	simm.s32 $0x3;
	_ =	swait.ge @!p0 [sflag:s21], $0x8000  }
0x25: {  	s20 =	simm.s32 $0x4;
	s22 =	smov.u32 s11;
	[sflag:s21] =	ssyncset.done @!p0 $0x0  }
0x26: {  	s23 =	simm.s32 @!p0 $0x8000;
	[sflag:s21] =	ssyncadd.s32 @!p0 $0xFFFF8000;
	s21 =	simm.s32 @!p0 $0x3  }
0x27: {  	s24 =	simm.s32 @!p0 $0x0;
	s19 =	sand.u32 $0x1, s31;
	_ =	swait.ge @!p0 [sflag:s21], $0x8000  }
0x28: {  	s18 =	sadd.s32 $0x1000, s11;
	p2 =	seq.s32 s19, $0x1;
	[sflag:s21] =	ssyncset.done @!p0 $0x0  }
0x29: {  	s19 =	sadd.s32 $0x1000, s10;
	[sflag:s21] =	ssyncadd.s32 @!p0 $0xFFFF8000;
	s21 =	smov.u32 s10  }
.LBB2_2:
0x2a: {  	[tilespmem:s23], [sflag:$0x2] =	stream.linear.gather @!p0 [hbm4b:s22+s24], $0x8000, $0x38;
	[tilespmem:$0x10000] =	vst v63  }
0x2b: {  	s23 =	simm.s32 @p2 $0x2;
	s25 =	smov.u32 s20;
	s20 =	sadd.s32 $0x1, s20  }
0x2c: {  	[hbm4b:s21+s24] =	stream.linear.scatter @!p0 [tilespmem:s24], [sflag:$0x3], $0x8000, $0x38;
	[tilespmem:$0x10000] =	vst v63  }
0x2d: {  	s22 =	smov.u32 s18;
	p1 =	sne.s32 s20, $0x1F;
	_ =	swait.ge @p2 [sflag:s23], $0x8000  }
0x2e: {  	s21 =	smov.u32 s19;
	p0 =	por p2, p2;
	[sflag:s23] =	ssyncset.done @p2 $0x0  }
0x2f: {  	[sflag:s23] =	ssyncadd.s32 @p0 $0xFFFF8000;
	s23 =	simm.s32 @p0 $0x4  }
0x30: {  	_ =	swait.ge @p0 [sflag:s23], $0x8000  }
0x31: {  	[sflag:s23] =	ssyncset.done @p0 $0x0  }
0x32: {  	[sflag:s23] =	ssyncadd.s32 @p0 $0xFFFF8000;
	s23 =	simm.s32 @p0 $0x0  }
0x33: {  	[tilespmem:s23], [sflag:$0x1] =	stream.linear.gather @p0 [hbm4b:s18+s23], $0x8000, $0x38;
	[tilespmem:$0x10000] =	vst v63  }
0x34: {  	s24 =	simm.s32 @p0 $0x8000;
	s26 =	simm.s32 @!p0 $0x1  }
0x35: {  	[hbm4b:s19+s23] =	stream.linear.scatter @p0 [tilespmem:s24], [sflag:$0x4], $0x8000, $0x38;
	[tilespmem:$0x10000] =	vst v63  }
0x36: {  	_ =	swait.ge @!p0 [sflag:s26], $0x8000  }
.Ltmp0:
0x37: {  	[sflag:s26] =	ssyncset.done @!p0 $0x0;
	(pc) =	sbr.rel @p1 .LBB2_2-.Ltmp0, $4  }
0x38: {  	[sflag:s26] =	ssyncadd.s32 @!p0 $0xFFFF8000;
	s26 =	simm.s32 @!p0 $0x3  }
0x39: {  	s18 =	sadd.s32 $0x1000, s18;
	s23 =	simm.s32 @!p0 $0x8000;
	_ =	swait.ge @!p0 [sflag:s26], $0x8000  }
0x3a: {  	s25 =	sand.u32 $0x1, s25;
	s24 =	simm.s32 @!p0 $0x0;
	[sflag:s26] =	ssyncset.done @!p0 $0x0  }
0x3b: {  	p2 =	seq.s32 s25, $0x1;
	s19 =	sadd.s32 $0x1000, s19;
	[sflag:s26] =	ssyncadd.s32 @!p0 $0xFFFF8000  }
0x3c: {  	[tilespmem:s23], [sflag:$0x2] =	stream.linear.gather @!p0 [hbm4b:s22+s24], $0x8000, $0x38;
	[tilespmem:$0x10000] =	vst v63  }
0x3d: {  	s20 =	simm.s32 @p2 $0x2  }
0x3e: {  	[hbm4b:s21+s24] =	stream.linear.scatter @!p0 [tilespmem:s24], [sflag:$0x3], $0x8000, $0x38;
	[tilespmem:$0x10000] =	vst v63  }
0x3f: {  	_ =	swait.ge @p2 [sflag:s20], $0x8000  }
0x40: {  	p0 =	por p2, p2;
	[sflag:s20] =	ssyncset.done @p2 $0x0  }
0x41: {  	[sflag:s20] =	ssyncadd.s32 @p0 $0xFFFF8000;
	s20 =	simm.s32 @p0 $0x4  }
0x42: {  	_ =	swait.ge @p0 [sflag:s20], $0x8000  }
0x43: {  	[sflag:s20] =	ssyncset.done @p0 $0x0  }
0x44: {  	[sflag:s20] =	ssyncadd.s32 @p0 $0xFFFF8000;
	s20 =	simm.s32 @p0 $0x0  }
0x45: {  	[tilespmem:s20], [sflag:$0x1] =	stream.linear.gather @p0 [hbm4b:s18+s20], $0x8000, $0x38;
	[tilespmem:$0x10000] =	vst v63  }
0x46: {  	s21 =	simm.s32 @p0 $0x8000;
	s22 =	simm.s32 @!p0 $0x1  }
0x47: {  	[hbm4b:s19+s20] =	stream.linear.scatter @p0 [tilespmem:s21], [sflag:$0x4], $0x8000, $0x38;
	[tilespmem:$0x10000] =	vst v63  }
0x48: {  	_ =	swait.ge @!p0 [sflag:s22], $0x8000  }
0x49: {  	[sflag:s22] =	ssyncset.done @!p0 $0x0  }
0x4a: {  	s20 =	simm.s32 @!p0 $0x3;
	[sflag:s22] =	ssyncadd.s32 @!p0 $0xFFFF8000  }
0x4b: {  	_ =	swait.ge @!p0 [sflag:s20], $0x8000  }
0x4c: {  	[sflag:s20] =	ssyncset.done @!p0 $0x0  }
0x4d: {  	s21 =	simm.s32 @!p0 $0x8000;
	s22 =	simm.s32 @!p0 $0x0;
	[sflag:s20] =	ssyncadd.s32 @!p0 $0xFFFF8000  }
0x4e: {  	[tilespmem:s21], [sflag:$0x2] =	stream.linear.gather @!p0 [hbm4b:s18+s22], $0x8000, $0x38;
	[tilespmem:$0x10000] =	vst v63  }
0x4f: {  	_ = 	snop  }
0x50: {  	[hbm4b:s19+s22] =	stream.linear.scatter @!p0 [tilespmem:s22], [sflag:$0x3], $0x8000, $0x38;
	[tilespmem:$0x10000] =	vst v63  }
0x51: {  	_ =	swait.ge [sflag:s14], $0x8000  }
0x52: {  	[sflag:s14] =	ssyncset.done $0x0  }
0x53: {  	[sflag:s14] =	ssyncadd.s32 $0xFFFF8000  }
0x54: {  	_ =	swait.ge [sflag:s15], $0x8000  }
0x55: {  	[sflag:s15] =	ssyncset.done $0x0  }
0x56: {  	s17 =	sadd.s32 $0x1, s17;
	[sflag:s15] =	ssyncadd.s32 $0xFFFF8000  }
0x57: {  	[hbm4b:s6+s2] =	stream.linear.scatter [tilespmem:s13], [sflag:$0x4], $0x8000, $0x38;
	[tilespmem:$0x10000] =	vst v63  }
0x58: {  	p0 =	sne.s32 s17, s5;
	_ =	swait.ge [sflag:s16], $0x8000  }
.Ltmp1:
0x59: {  	[sflag:s16] =	ssyncset.done $0x0;
	(pc) =	sbr.rel @p0 .LBB2_1-.Ltmp1, $4  }
0x5a: {  	[sflag:s16] =	ssyncadd.s32 $0xFFFF8000  }
0x5b: {  	_ =	swait.ge [sflag:s15], $0x8000  }
0x5c: {  	[sflag:s15] =	ssyncset.done $0x0  }
0x5d: {  	[sflag:s15] =	ssyncadd.s32 $0xFFFF8000  }
0x5e: {  	_ =	sfence.sel $0x180000  }
0x5f: {  	[bflag:$0x0] =	sbarrier.arrive $0xFFFF  }
0x60: {  	p0 =	sne.s32 s1, $0x0;
	_ =	strace $0x90000047  }
0x61: {  	s0 =	sadd.s32 @!p0 $0x100000, s0;
	[bflag:$0x2] =	sbarrier.arrive $0xFFFF  }
0x62: {  	[sflag:s0] =	ssyncadd.tile.s32 @!p0 $0x1;
	_ =	shalt  }
.Lfunc_end2:
_tile_overlayer_lowered:
.L_overlay_start_2:
0x63: {  	(tag) =	ssettag $0x2  }
0x64: {  	s0 =	rddreg [dreg:$0x0];
	s2 =	stileid.u32  }
0x65: {  	s1 =	rddreg [dreg:$0x1];
	p0 =	sne.s32 s2, $0x0  }
0x66: {  	s3 =	rddreg [dreg:$0x2];
	[bflag:$0x3] =	sbarrier.arrive $0xFFFF;
	s2 =	simm.s32 @!p0 $0x1C05  }
0x67: {  	[timem:s3], [sflag:s2] =	dma.local @!p0 [hbm:s0], s1  }
0x68: {  	s0 =	simm.s32 @!p0 $0x5  }
0x69: {  	_ =	swait.ge @!p0 [sflag:s0], s1  }
0x6a: {  	s1 =	ssub.s32 @!p0 $0x0, s1;
	[sflag:s0] =	ssyncset.done @!p0 $0x0  }
0x6b: {  	[sflag:s0] =	ssyncadd.s32 @!p0 s1  }
0x6c: {  	[bflag:$0x3] =	sbarrier.arrive $0xFFFF  }
0x6d: {  	_ =	shalt  }

</sc_bundles>
